<compile_context>
chip_gen: v7x
topology: tpu7x:2x2x1
jax: 0.10.2.dev20260603
libtpu: 0.0.44.dev20260713+nightly
codegen_flags: <defaults>
</compile_context>

<pallas_src>
import jax
import jax.numpy as jnp
from jax import lax
from jax.experimental import pallas as pl
from jax.experimental.pallas import tpu as pltpu

B = 16
MAX_T = 4096
S = 128
NA = 256
HB = 1024
NH = MAX_T // HB
NBUF = 4
WMAX = B * NH


def _body(lens_ref, wi_ref, wb_ref, nw_ref, s_hbm, a_hbm, wt_ref, out_ref,
          sbuf, abuf, ssem, asem):
    nw = nw_ref[0]

    pltpu.make_async_copy(a_hbm, abuf, asem).start()

    def start(w):
        slot = jnp.bitwise_and(w, NBUF - 1)
        i = wi_ref[w]
        b = wb_ref[w]
        pltpu.make_async_copy(s_hbm.at[i, pl.ds(b * HB, HB), :],
                              sbuf.at[slot], ssem.at[slot]).start()

    for w in range(NBUF):
        @pl.when(w < nw)
        def _(w=w):
            start(w)

    pltpu.make_async_copy(a_hbm, abuf, asem).wait()

    def loop_body(w, acc):
        slot = jnp.bitwise_and(w, NBUF - 1)
        pltpu.make_async_copy(sbuf.at[slot], sbuf.at[slot],
                              ssem.at[slot]).wait()
        i = wi_ref[w]
        b = wb_ref[w]
        len_i = lens_ref[i]
        base = b * HB
        x = sbuf[slot]
        a = abuf[i * NH + b]
        logits = lax.dot_general(wt_ref[...], x,
                                 (((1,), (1,)), ((), ())),
                                 preferred_element_type=jnp.float32)
        ex = jnp.exp(logits)
        lse = jnp.log(jnp.sum(ex, axis=0, keepdims=True))
        row = lax.broadcasted_iota(jnp.int32, (NA, HB), 0)
        taken = jnp.sum(jnp.where(row == a, logits, 0.0),
                        axis=0, keepdims=True)
        tcol = base + lax.broadcasted_iota(jnp.int32, (1, HB), 1)
        valid = tcol < len_i

        @pl.when(w + NBUF < nw)
        def _():
            start(w + NBUF)

        return acc + jnp.where(valid, taken - lse, 0.0)

    acc = lax.fori_loop(0, nw, loop_body, jnp.zeros((1, HB), jnp.float32))
    out_ref[...] = jnp.sum(acc).reshape(1, 1)


def kernel(s_i_batch, actions_batch, lengths, W_action, b_action,
           W_stop, b_stop, W_start, b_start):
    del b_action, W_stop, b_stop, W_start, b_start
    lens = lengths.astype(jnp.int32)
    acts = jnp.reshape(actions_batch.astype(jnp.int32), (B * NH, 1, HB))
    wt = jnp.transpose(W_action[:, :NA])

    nb = (lens + HB - 1) // HB
    bb = jnp.arange(NH, dtype=jnp.int32)[None, :]
    live = bb < nb[:, None]
    flat = jnp.nonzero(live.reshape(-1), size=WMAX, fill_value=0)[0]
    flat = flat.astype(jnp.int32)
    wi = flat // NH
    wb = flat % NH
    nw = jnp.sum(live.astype(jnp.int32)).reshape(1)

    grid_spec = pltpu.PrefetchScalarGridSpec(
        num_scalar_prefetch=4,
        grid=(1,),
        in_specs=[
            pl.BlockSpec(memory_space=pl.ANY),
            pl.BlockSpec(memory_space=pl.ANY),
            pl.BlockSpec((NA, S), lambda g, *scalars: (0, 0)),
        ],
        out_specs=pl.BlockSpec((1, 1), lambda g, *scalars: (0, 0)),
        scratch_shapes=[
            pltpu.VMEM((NBUF, HB, S), jnp.float32),
            pltpu.VMEM((B * NH, 1, HB), jnp.int32),
            pltpu.SemaphoreType.DMA((NBUF,)),
            pltpu.SemaphoreType.DMA,
        ],
    )
    total = pl.pallas_call(
        _body,
        grid_spec=grid_spec,
        out_shape=jax.ShapeDtypeStruct((1, 1), jnp.float32),
        compiler_params=pltpu.CompilerParams(
            dimension_semantics=("arbitrary",)),
    )(lens, wi, wb, nw, s_i_batch, acts, wt)
    return -total[0, 0]

# --- scband reference (transcript-rebuilt; emitter-appended) ---
"""Pipeline reference for scband-traj-net-57501022159260 (READ-ONLY COPY).

The authoritative reference and input builder live on the scoring server;
editing this copy changes nothing except your own understanding.
"""

import jax, jax.numpy as jnp
import numpy as np

B = 16
MAX_T = 4096
S = 128
NB = 2  # control_net.b (number of options/abstract actions)
NA = 256  # number of primitive actions


def setup_inputs(seed: int = 0) -> dict:
    key = jax.random.key(seed)
    ks = jax.random.split(key, 9)
    return {
        's_i_batch': jax.random.normal(ks[0], (B, MAX_T + 1, S), dtype=jnp.float32),
        'actions_batch': jax.random.randint(ks[1], (B, MAX_T), 0, NA),
        'lengths': jax.random.randint(ks[2], (B,), 0, MAX_T),
        'W_action': jax.random.normal(ks[3], (S, NB * NA), dtype=jnp.float32) * (1.0 / np.sqrt(S)),
        'b_action': jnp.zeros((NB * NA,), dtype=jnp.float32),
        'W_stop': jax.random.normal(ks[4], (S, NB * 2), dtype=jnp.float32) * (1.0 / np.sqrt(S)),
        'b_stop': jnp.zeros((NB * 2,), dtype=jnp.float32),
        'W_start': jax.random.normal(ks[5], (S, NB), dtype=jnp.float32) * (1.0 / np.sqrt(S)),
        'b_start': jnp.zeros((NB,), dtype=jnp.float32),
    }


def reference(s_i_batch, actions_batch, lengths, W_action, b_action, W_stop, b_stop, W_start, b_start):
    Bb, Tp1, _ = s_i_batch.shape
    max_T = actions_batch.shape[1]
    # control_net(s_i_batch): per-(state, option) action logps, stop logps, start logps
    action_logps = jax.nn.log_softmax(
        jnp.reshape(s_i_batch @ W_action + b_action, (Bb, Tp1, NB, NA)), axis=-1)
    stop_logps = jax.nn.log_softmax(
        jnp.reshape(s_i_batch @ W_stop + b_stop, (Bb, Tp1, NB, 2)), axis=-1)
    start_logps = jax.nn.log_softmax(s_i_batch @ W_start + b_start, axis=-1)
    # total_logp = sum_i sum_{t < lengths[i]} action_logps[i, t, 0, actions[i, t]]
    taken = jnp.take_along_axis(action_logps[:, :max_T, 0, :],
                                actions_batch[..., None], axis=-1)[..., 0]  # (B, max_T)
    mask = (jnp.arange(max_T)[None, :] < lengths[:, None]).astype(taken.dtype)
    total_logp = jnp.sum(taken * mask)
    return -total_logp

if __name__ == "__main__":
    import jax
    _d = setup_inputs()
    print(jax.jit(kernel)(*tuple(_d.values())))

</pallas_src>

<mosaic_0001>
module attributes {stable_mosaic.version = 14 : i64} {
  func.func @_body(%arg0: i32, %arg1: memref<16xi32, #tpu.memory_space<smem>>, %arg2: memref<64xi32, #tpu.memory_space<smem>>, %arg3: memref<64xi32, #tpu.memory_space<smem>>, %arg4: memref<1xi32, #tpu.memory_space<smem>>, %arg5: memref<16x4097x128xf32, #tpu.memory_space<any>>, %arg6: memref<64x1x1024xi32, #tpu.memory_space<any>>, %arg7: memref<256x128xf32, #tpu.memory_space<vmem>>, %arg8: memref<1x1xf32, #tpu.memory_space<vmem>>, %arg9: memref<4x1024x128xf32, #tpu.memory_space<vmem>>, %arg10: memref<64x1x1024xi32, #tpu.memory_space<vmem>>, %arg11: memref<4x!tpu.dma_semaphore, #tpu.memory_space<semaphore_mem>>, %arg12: memref<!tpu.dma_semaphore, #tpu.memory_space<semaphore_mem>>) attributes {dimension_semantics = [#tpu.dimension_semantics<arbitrary>], iteration_bounds = array<i64: 1>, scalar_prefetch = 4 : i64, scratch_operands = 4 : i64, tpu.core_type = #tpu.core_type<tc>, window_params = [{}, {}, {pipeline_mode = #tpu.pipeline_mode<synchronous>, transform_indices = @transform_2, window_bounds = array<i64: 256, 128>}, {pipeline_mode = #tpu.pipeline_mode<synchronous>, transform_indices = @transform_3, window_bounds = array<i64: 1, 1>}]} {
    %get3A = arith.constant 0 : index
    %get3A_0 = memref.load %arg4[%get3A] : memref<1xi32, #tpu.memory_space<smem>>
    tpu.enqueue_dma source(%arg6 : memref<64x1x1024xi32, #tpu.memory_space<any>>) target(%arg10 : memref<64x1x1024xi32, #tpu.memory_space<vmem>>) target_semaphore(%arg12 : memref<!tpu.dma_semaphore, #tpu.memory_space<semaphore_mem>>)
    %gt3A = arith.constant 0 : i32
    %gt3A_1 = arith.cmpi sgt, %get3A_0, %gt3A : i32
    %convert_element_type3A = arith.extui %gt3A_1 : i1 to i32
    %cond3A = arith.constant 0 : i32
    %cond3A_2 = arith.cmpi ne, %convert_element_type3A, %cond3A : i32
    scf.if %cond3A_2 {
      %and3A = arith.constant 0 : i32
      %and3A_35 = arith.constant 3 : i32
      %and3A_36 = arith.andi %and3A, %and3A_35 : i32
      %get3A_37 = arith.constant 0 : index
      %get3A_38 = memref.load %arg2[%get3A_37] : memref<64xi32, #tpu.memory_space<smem>>
      %get3A_39 = arith.constant 0 : index
      %get3A_40 = memref.load %arg3[%get3A_39] : memref<64xi32, #tpu.memory_space<smem>>
      %mul3A = arith.constant 1024 : i32
      %mul3A_41 = arith.muli %get3A_40, %mul3A : i32
      %dma_start3A = tpu.memref_slice %arg11[%and3A_36] : memref<4x!tpu.dma_semaphore, #tpu.memory_space<semaphore_mem>> -> memref<1x!tpu.dma_semaphore, #tpu.memory_space<semaphore_mem>>
      %dma_start3A_42 = tpu.memref_squeeze %dma_start3A : memref<1x!tpu.dma_semaphore, #tpu.memory_space<semaphore_mem>> -> memref<!tpu.dma_semaphore, #tpu.memory_space<semaphore_mem>>
      %dma_start3A_43 = arith.constant 0 : i32
      %dma_start3A_44 = arith.constant 0 : i32
      %dma_start3A_45 = tpu.memref_slice %arg9[%and3A_36, %dma_start3A_43, %dma_start3A_44] : memref<4x1024x128xf32, #tpu.memory_space<vmem>> -> memref<1x1024x128xf32, #tpu.memory_space<vmem>>
      %dma_start3A_46 = tpu.memref_squeeze %dma_start3A_45 : memref<1x1024x128xf32, #tpu.memory_space<vmem>> -> memref<1024x128xf32, #tpu.memory_space<vmem>>
      %dma_start3A_47 = arith.constant 0 : i32
      %dma_start3A_48 = tpu.memref_slice %arg5[%get3A_38, %mul3A_41, %dma_start3A_47] : memref<16x4097x128xf32, #tpu.memory_space<any>> -> memref<1x1024x128xf32, #tpu.memory_space<any>>
      %dma_start3A_49 = tpu.memref_squeeze %dma_start3A_48 : memref<1x1024x128xf32, #tpu.memory_space<any>> -> memref<1024x128xf32, #tpu.memory_space<any>>
      tpu.enqueue_dma source(%dma_start3A_49 : memref<1024x128xf32, #tpu.memory_space<any>>) target(%dma_start3A_46 : memref<1024x128xf32, #tpu.memory_space<vmem>>) target_semaphore(%dma_start3A_42 : memref<!tpu.dma_semaphore, #tpu.memory_space<semaphore_mem>>)
    } else {
    }
    %gt3A_3 = arith.constant 1 : i32
    %gt3A_4 = arith.cmpi sgt, %get3A_0, %gt3A_3 : i32
    %convert_element_type3A_5 = arith.extui %gt3A_4 : i1 to i32
    %cond3A_6 = arith.constant 0 : i32
    %cond3A_7 = arith.cmpi ne, %convert_element_type3A_5, %cond3A_6 : i32
    scf.if %cond3A_7 {
      %and3A = arith.constant 1 : i32
      %and3A_35 = arith.constant 3 : i32
      %and3A_36 = arith.andi %and3A, %and3A_35 : i32
      %get3A_37 = arith.constant 1 : index
      %get3A_38 = memref.load %arg2[%get3A_37] : memref<64xi32, #tpu.memory_space<smem>>
      %get3A_39 = arith.constant 1 : index
      %get3A_40 = memref.load %arg3[%get3A_39] : memref<64xi32, #tpu.memory_space<smem>>
      %mul3A = arith.constant 1024 : i32
      %mul3A_41 = arith.muli %get3A_40, %mul3A : i32
      %dma_start3A = tpu.memref_slice %arg11[%and3A_36] : memref<4x!tpu.dma_semaphore, #tpu.memory_space<semaphore_mem>> -> memref<1x!tpu.dma_semaphore, #tpu.memory_space<semaphore_mem>>
      %dma_start3A_42 = tpu.memref_squeeze %dma_start3A : memref<1x!tpu.dma_semaphore, #tpu.memory_space<semaphore_mem>> -> memref<!tpu.dma_semaphore, #tpu.memory_space<semaphore_mem>>
      %dma_start3A_43 = arith.constant 0 : i32
      %dma_start3A_44 = arith.constant 0 : i32
      %dma_start3A_45 = tpu.memref_slice %arg9[%and3A_36, %dma_start3A_43, %dma_start3A_44] : memref<4x1024x128xf32, #tpu.memory_space<vmem>> -> memref<1x1024x128xf32, #tpu.memory_space<vmem>>
      %dma_start3A_46 = tpu.memref_squeeze %dma_start3A_45 : memref<1x1024x128xf32, #tpu.memory_space<vmem>> -> memref<1024x128xf32, #tpu.memory_space<vmem>>
      %dma_start3A_47 = arith.constant 0 : i32
      %dma_start3A_48 = tpu.memref_slice %arg5[%get3A_38, %mul3A_41, %dma_start3A_47] : memref<16x4097x128xf32, #tpu.memory_space<any>> -> memref<1x1024x128xf32, #tpu.memory_space<any>>
      %dma_start3A_49 = tpu.memref_squeeze %dma_start3A_48 : memref<1x1024x128xf32, #tpu.memory_space<any>> -> memref<1024x128xf32, #tpu.memory_space<any>>
      tpu.enqueue_dma source(%dma_start3A_49 : memref<1024x128xf32, #tpu.memory_space<any>>) target(%dma_start3A_46 : memref<1024x128xf32, #tpu.memory_space<vmem>>) target_semaphore(%dma_start3A_42 : memref<!tpu.dma_semaphore, #tpu.memory_space<semaphore_mem>>)
    } else {
    }
    %gt3A_8 = arith.constant 2 : i32
    %gt3A_9 = arith.cmpi sgt, %get3A_0, %gt3A_8 : i32
    %convert_element_type3A_10 = arith.extui %gt3A_9 : i1 to i32
    %cond3A_11 = arith.constant 0 : i32
    %cond3A_12 = arith.cmpi ne, %convert_element_type3A_10, %cond3A_11 : i32
    scf.if %cond3A_12 {
      %and3A = arith.constant 2 : i32
      %and3A_35 = arith.constant 3 : i32
      %and3A_36 = arith.andi %and3A, %and3A_35 : i32
      %get3A_37 = arith.constant 2 : index
      %get3A_38 = memref.load %arg2[%get3A_37] : memref<64xi32, #tpu.memory_space<smem>>
      %get3A_39 = arith.constant 2 : index
      %get3A_40 = memref.load %arg3[%get3A_39] : memref<64xi32, #tpu.memory_space<smem>>
      %mul3A = arith.constant 1024 : i32
      %mul3A_41 = arith.muli %get3A_40, %mul3A : i32
      %dma_start3A = tpu.memref_slice %arg11[%and3A_36] : memref<4x!tpu.dma_semaphore, #tpu.memory_space<semaphore_mem>> -> memref<1x!tpu.dma_semaphore, #tpu.memory_space<semaphore_mem>>
      %dma_start3A_42 = tpu.memref_squeeze %dma_start3A : memref<1x!tpu.dma_semaphore, #tpu.memory_space<semaphore_mem>> -> memref<!tpu.dma_semaphore, #tpu.memory_space<semaphore_mem>>
      %dma_start3A_43 = arith.constant 0 : i32
      %dma_start3A_44 = arith.constant 0 : i32
      %dma_start3A_45 = tpu.memref_slice %arg9[%and3A_36, %dma_start3A_43, %dma_start3A_44] : memref<4x1024x128xf32, #tpu.memory_space<vmem>> -> memref<1x1024x128xf32, #tpu.memory_space<vmem>>
      %dma_start3A_46 = tpu.memref_squeeze %dma_start3A_45 : memref<1x1024x128xf32, #tpu.memory_space<vmem>> -> memref<1024x128xf32, #tpu.memory_space<vmem>>
      %dma_start3A_47 = arith.constant 0 : i32
      %dma_start3A_48 = tpu.memref_slice %arg5[%get3A_38, %mul3A_41, %dma_start3A_47] : memref<16x4097x128xf32, #tpu.memory_space<any>> -> memref<1x1024x128xf32, #tpu.memory_space<any>>
      %dma_start3A_49 = tpu.memref_squeeze %dma_start3A_48 : memref<1x1024x128xf32, #tpu.memory_space<any>> -> memref<1024x128xf32, #tpu.memory_space<any>>
      tpu.enqueue_dma source(%dma_start3A_49 : memref<1024x128xf32, #tpu.memory_space<any>>) target(%dma_start3A_46 : memref<1024x128xf32, #tpu.memory_space<vmem>>) target_semaphore(%dma_start3A_42 : memref<!tpu.dma_semaphore, #tpu.memory_space<semaphore_mem>>)
    } else {
    }
    %gt3A_13 = arith.constant 3 : i32
    %gt3A_14 = arith.cmpi sgt, %get3A_0, %gt3A_13 : i32
    %convert_element_type3A_15 = arith.extui %gt3A_14 : i1 to i32
    %cond3A_16 = arith.constant 0 : i32
    %cond3A_17 = arith.cmpi ne, %convert_element_type3A_15, %cond3A_16 : i32
    scf.if %cond3A_17 {
      %and3A = arith.constant 3 : i32
      %and3A_35 = arith.constant 3 : i32
      %and3A_36 = arith.andi %and3A, %and3A_35 : i32
      %get3A_37 = arith.constant 3 : index
      %get3A_38 = memref.load %arg2[%get3A_37] : memref<64xi32, #tpu.memory_space<smem>>
      %get3A_39 = arith.constant 3 : index
      %get3A_40 = memref.load %arg3[%get3A_39] : memref<64xi32, #tpu.memory_space<smem>>
      %mul3A = arith.constant 1024 : i32
      %mul3A_41 = arith.muli %get3A_40, %mul3A : i32
      %dma_start3A = tpu.memref_slice %arg11[%and3A_36] : memref<4x!tpu.dma_semaphore, #tpu.memory_space<semaphore_mem>> -> memref<1x!tpu.dma_semaphore, #tpu.memory_space<semaphore_mem>>
      %dma_start3A_42 = tpu.memref_squeeze %dma_start3A : memref<1x!tpu.dma_semaphore, #tpu.memory_space<semaphore_mem>> -> memref<!tpu.dma_semaphore, #tpu.memory_space<semaphore_mem>>
      %dma_start3A_43 = arith.constant 0 : i32
      %dma_start3A_44 = arith.constant 0 : i32
      %dma_start3A_45 = tpu.memref_slice %arg9[%and3A_36, %dma_start3A_43, %dma_start3A_44] : memref<4x1024x128xf32, #tpu.memory_space<vmem>> -> memref<1x1024x128xf32, #tpu.memory_space<vmem>>
      %dma_start3A_46 = tpu.memref_squeeze %dma_start3A_45 : memref<1x1024x128xf32, #tpu.memory_space<vmem>> -> memref<1024x128xf32, #tpu.memory_space<vmem>>
      %dma_start3A_47 = arith.constant 0 : i32
      %dma_start3A_48 = tpu.memref_slice %arg5[%get3A_38, %mul3A_41, %dma_start3A_47] : memref<16x4097x128xf32, #tpu.memory_space<any>> -> memref<1x1024x128xf32, #tpu.memory_space<any>>
      %dma_start3A_49 = tpu.memref_squeeze %dma_start3A_48 : memref<1x1024x128xf32, #tpu.memory_space<any>> -> memref<1024x128xf32, #tpu.memory_space<any>>
      tpu.enqueue_dma source(%dma_start3A_49 : memref<1024x128xf32, #tpu.memory_space<any>>) target(%dma_start3A_46 : memref<1024x128xf32, #tpu.memory_space<vmem>>) target_semaphore(%dma_start3A_42 : memref<!tpu.dma_semaphore, #tpu.memory_space<semaphore_mem>>)
    } else {
    }
    tpu.wait_dma2 semaphore(%arg12 : memref<!tpu.dma_semaphore, #tpu.memory_space<semaphore_mem>>) src(%arg6 : memref<64x1x1024xi32, #tpu.memory_space<any>>) dst(%arg10 : memref<64x1x1024xi32, #tpu.memory_space<vmem>>)
    %broadcast_in_dim3A = arith.constant 0.000000e+00 : f32
    %broadcast_in_dim3A_18 = vector.broadcast %broadcast_in_dim3A : f32 to vector<1x1024xf32>
    %while3A = arith.constant 0 : i32
    %while3A_19 = arith.subi %get3A_0, %while3A : i32
    %while3A_20 = arith.addi %while3A, %while3A_19 : i32
    %while3A_21 = arith.constant 1 : i32
    %while3A_22 = arith.divsi %while3A_19, %while3A_21 : i32
    %while3A_23 = arith.muli %while3A_22, %while3A_21 : i32
    %while3A_24 = arith.addi %while3A, %while3A_23 : i32
    %while3A_25 = arith.constant 1 : i32
    %while3A_26 = scf.for %while3A_35 = %while3A to %while3A_24 step %while3A_25 iter_args(%while3A_36 = %broadcast_in_dim3A_18) -> (vector<1x1024xf32>)  : i32 {
      %and3A = arith.constant 3 : i32
      %and3A_37 = arith.andi %while3A_35, %and3A : i32
      %dma_wait3A = tpu.memref_slice %arg11[%and3A_37] : memref<4x!tpu.dma_semaphore, #tpu.memory_space<semaphore_mem>> -> memref<1x!tpu.dma_semaphore, #tpu.memory_space<semaphore_mem>>
      %dma_wait3A_38 = tpu.memref_squeeze %dma_wait3A : memref<1x!tpu.dma_semaphore, #tpu.memory_space<semaphore_mem>> -> memref<!tpu.dma_semaphore, #tpu.memory_space<semaphore_mem>>
      %dma_wait3A_39 = arith.constant 0 : i32
      %dma_wait3A_40 = arith.constant 0 : i32
      %dma_wait3A_41 = tpu.memref_slice %arg9[%and3A_37, %dma_wait3A_39, %dma_wait3A_40] : memref<4x1024x128xf32, #tpu.memory_space<vmem>> -> memref<1x1024x128xf32, #tpu.memory_space<vmem>>
      %dma_wait3A_42 = tpu.memref_squeeze %dma_wait3A_41 : memref<1x1024x128xf32, #tpu.memory_space<vmem>> -> memref<1024x128xf32, #tpu.memory_space<vmem>>
      %dma_wait3A_43 = arith.constant 0 : i32
      %dma_wait3A_44 = arith.constant 0 : i32
      %dma_wait3A_45 = tpu.memref_slice %arg9[%and3A_37, %dma_wait3A_43, %dma_wait3A_44] : memref<4x1024x128xf32, #tpu.memory_space<vmem>> -> memref<1x1024x128xf32, #tpu.memory_space<vmem>>
      %dma_wait3A_46 = tpu.memref_squeeze %dma_wait3A_45 : memref<1x1024x128xf32, #tpu.memory_space<vmem>> -> memref<1024x128xf32, #tpu.memory_space<vmem>>
      tpu.wait_dma2 semaphore(%dma_wait3A_38 : memref<!tpu.dma_semaphore, #tpu.memory_space<semaphore_mem>>) src(%dma_wait3A_46 : memref<1024x128xf32, #tpu.memory_space<vmem>>) dst(%dma_wait3A_42 : memref<1024x128xf32, #tpu.memory_space<vmem>>)
      %get3A_47 = arith.index_cast %while3A_35 : i32 to index
      %get3A_48 = memref.load %arg2[%get3A_47] : memref<64xi32, #tpu.memory_space<smem>>
      %get3A_49 = arith.index_cast %while3A_35 : i32 to index
      %get3A_50 = memref.load %arg3[%get3A_49] : memref<64xi32, #tpu.memory_space<smem>>
      %get3A_51 = arith.index_cast %get3A_48 : i32 to index
      %get3A_52 = memref.load %arg1[%get3A_51] : memref<16xi32, #tpu.memory_space<smem>>
      %mul3A = arith.constant 1024 : i32
      %mul3A_53 = arith.muli %get3A_50, %mul3A : i32
      %get3A_54 = arith.index_cast %and3A_37 : i32 to index
      %get3A_55 = arith.constant 0 : index
      %get3A_56 = arith.constant 0 : index
      %get3A_57 = vector.load %arg9[%get3A_54, %get3A_55, %get3A_56] : memref<4x1024x128xf32, #tpu.memory_space<vmem>>, vector<1x1024x128xf32>
      %get3A_58 = vector.shape_cast %get3A_57 : vector<1x1024x128xf32> to vector<1024x128xf32>
      %mul3A_59 = arith.constant 4 : i32
      %mul3A_60 = arith.muli %get3A_48, %mul3A_59 : i32
      %add3A = arith.addi %mul3A_60, %get3A_50 : i32
      %get3A_61 = arith.index_cast %add3A : i32 to index
      %get3A_62 = arith.constant 0 : index
      %get3A_63 = arith.constant 0 : index
      %get3A_64 = vector.load %arg10[%get3A_61, %get3A_62, %get3A_63] : memref<64x1x1024xi32, #tpu.memory_space<vmem>>, vector<1x1x1024xi32>
      %get3A_65 = vector.shape_cast %get3A_64 : vector<1x1x1024xi32> to vector<1x1024xi32>
      %get3A_66 = arith.constant 0 : index
      %get3A_67 = arith.constant 0 : index
      %get3A_68 = vector.load %arg7[%get3A_66, %get3A_67] : memref<256x128xf32, #tpu.memory_space<vmem>>, vector<256x128xf32>
      %dot_general3A = arith.constant dense<0.000000e+00> : vector<256x1024xf32>
      %dot_general3A_69 = tpu.matmul %get3A_68, %get3A_58, %dot_general3A {dimension_numbers = #tpu.dot_dimension_numbers<[1], [1], [0], [0], [0, 0, 1, 0], [], []>, transpose_lhs_hint = false} : vector<256x128xf32>, vector<1024x128xf32>, vector<256x1024xf32> -> vector<256x1024xf32>
      %exp3A = math.exp %dot_general3A_69 : vector<256x1024xf32>
      %reduce_sum3A_70 = arith.constant dense<0.000000e+00> : vector<1024xf32>
      %reduce_sum3A_71 = vector.multi_reduction <add>, %exp3A, %reduce_sum3A_70 [0] : vector<256x1024xf32> to vector<1024xf32>
      %broadcast_in_dim3A_72 = vector.shape_cast %reduce_sum3A_71 : vector<1024xf32> to vector<1x1024xf32>
      %log3A = math.log %broadcast_in_dim3A_72 : vector<1x1024xf32>
      %iota3A = tpu.iota {dimensions = array<i32: 0>} : vector<256x1024xi32>
      %eq3A = vector.broadcast %get3A_65 : vector<1x1024xi32> to vector<256x1024xi32>
      %eq3A_73 = arith.cmpi eq, %iota3A, %eq3A : vector<256x1024xi32>
      %jit3A = arith.constant 0.000000e+00 : f32
      %broadcast_in_dim3A_74 = vector.broadcast %jit3A : f32 to vector<256x1024xf32>
      %select_n3A = arith.select %eq3A_73, %dot_general3A_69, %broadcast_in_dim3A_74 : vector<256x1024xi1>, vector<256x1024xf32>
      %reduce_sum3A_75 = arith.constant dense<0.000000e+00> : vector<1024xf32>
      %reduce_sum3A_76 = vector.multi_reduction <add>, %select_n3A, %reduce_sum3A_75 [0] : vector<256x1024xf32> to vector<1024xf32>
      %broadcast_in_dim3A_77 = vector.shape_cast %reduce_sum3A_76 : vector<1024xf32> to vector<1x1024xf32>
      %iota3A_78 = tpu.iota {dimensions = array<i32: 1>} : vector<1x1024xi32>
      %add3A_79 = vector.broadcast %mul3A_53 : i32 to vector<1x1024xi32>
      %add3A_80 = arith.addi %add3A_79, %iota3A_78 : vector<1x1024xi32>
      %lt3A = vector.broadcast %get3A_52 : i32 to vector<1x1024xi32>
      %lt3A_81 = arith.cmpi slt, %add3A_80, %lt3A : vector<1x1024xi32>
      %add3A_82 = arith.constant 4 : i32
      %add3A_83 = arith.addi %while3A_35, %add3A_82 : i32
      %lt3A_84 = arith.cmpi slt, %add3A_83, %get3A_0 : i32
      %convert_element_type3A_85 = arith.extui %lt3A_84 : i1 to i32
      %cond3A_86 = arith.constant 0 : i32
      %cond3A_87 = arith.cmpi ne, %convert_element_type3A_85, %cond3A_86 : i32
      scf.if %cond3A_87 {
        %add3A_92 = arith.constant 4 : i32
        %add3A_93 = arith.addi %while3A_35, %add3A_92 : i32
        %and3A_94 = arith.constant 3 : i32
        %and3A_95 = arith.andi %add3A_93, %and3A_94 : i32
        %get3A_96 = arith.index_cast %add3A_93 : i32 to index
        %get3A_97 = memref.load %arg2[%get3A_96] : memref<64xi32, #tpu.memory_space<smem>>
        %get3A_98 = arith.index_cast %add3A_93 : i32 to index
        %get3A_99 = memref.load %arg3[%get3A_98] : memref<64xi32, #tpu.memory_space<smem>>
        %mul3A_100 = arith.constant 1024 : i32
        %mul3A_101 = arith.muli %get3A_99, %mul3A_100 : i32
        %dma_start3A = tpu.memref_slice %arg11[%and3A_95] : memref<4x!tpu.dma_semaphore, #tpu.memory_space<semaphore_mem>> -> memref<1x!tpu.dma_semaphore, #tpu.memory_space<semaphore_mem>>
        %dma_start3A_102 = tpu.memref_squeeze %dma_start3A : memref<1x!tpu.dma_semaphore, #tpu.memory_space<semaphore_mem>> -> memref<!tpu.dma_semaphore, #tpu.memory_space<semaphore_mem>>
        %dma_start3A_103 = arith.constant 0 : i32
        %dma_start3A_104 = arith.constant 0 : i32
        %dma_start3A_105 = tpu.memref_slice %arg9[%and3A_95, %dma_start3A_103, %dma_start3A_104] : memref<4x1024x128xf32, #tpu.memory_space<vmem>> -> memref<1x1024x128xf32, #tpu.memory_space<vmem>>
        %dma_start3A_106 = tpu.memref_squeeze %dma_start3A_105 : memref<1x1024x128xf32, #tpu.memory_space<vmem>> -> memref<1024x128xf32, #tpu.memory_space<vmem>>
        %dma_start3A_107 = arith.constant 0 : i32
        %dma_start3A_108 = tpu.memref_slice %arg5[%get3A_97, %mul3A_101, %dma_start3A_107] : memref<16x4097x128xf32, #tpu.memory_space<any>> -> memref<1x1024x128xf32, #tpu.memory_space<any>>
        %dma_start3A_109 = tpu.memref_squeeze %dma_start3A_108 : memref<1x1024x128xf32, #tpu.memory_space<any>> -> memref<1024x128xf32, #tpu.memory_space<any>>
        tpu.enqueue_dma source(%dma_start3A_109 : memref<1024x128xf32, #tpu.memory_space<any>>) target(%dma_start3A_106 : memref<1024x128xf32, #tpu.memory_space<vmem>>) target_semaphore(%dma_start3A_102 : memref<!tpu.dma_semaphore, #tpu.memory_space<semaphore_mem>>)
      } else {
      }
      %sub3A = arith.subf %broadcast_in_dim3A_77, %log3A : vector<1x1024xf32>
      %jit3A_88 = arith.constant 0.000000e+00 : f32
      %broadcast_in_dim3A_89 = vector.broadcast %jit3A_88 : f32 to vector<1x1024xf32>
      %select_n3A_90 = arith.select %lt3A_81, %sub3A, %broadcast_in_dim3A_89 : vector<1x1024xi1>, vector<1x1024xf32>
      %add3A_91 = arith.addf %while3A_36, %select_n3A_90 : vector<1x1024xf32>
      scf.yield %add3A_91 : vector<1x1024xf32>
    }
    %while3A_27 = arith.constant 1 : i32
    %while3A_28 = scf.for %while3A_35 = %while3A_24 to %while3A_20 step %while3A_27 iter_args(%while3A_36 = %while3A_26) -> (vector<1x1024xf32>)  : i32 {
      %and3A = arith.constant 3 : i32
      %and3A_37 = arith.andi %while3A_35, %and3A : i32
      %dma_wait3A = tpu.memref_slice %arg11[%and3A_37] : memref<4x!tpu.dma_semaphore, #tpu.memory_space<semaphore_mem>> -> memref<1x!tpu.dma_semaphore, #tpu.memory_space<semaphore_mem>>
      %dma_wait3A_38 = tpu.memref_squeeze %dma_wait3A : memref<1x!tpu.dma_semaphore, #tpu.memory_space<semaphore_mem>> -> memref<!tpu.dma_semaphore, #tpu.memory_space<semaphore_mem>>
      %dma_wait3A_39 = arith.constant 0 : i32
      %dma_wait3A_40 = arith.constant 0 : i32
      %dma_wait3A_41 = tpu.memref_slice %arg9[%and3A_37, %dma_wait3A_39, %dma_wait3A_40] : memref<4x1024x128xf32, #tpu.memory_space<vmem>> -> memref<1x1024x128xf32, #tpu.memory_space<vmem>>
      %dma_wait3A_42 = tpu.memref_squeeze %dma_wait3A_41 : memref<1x1024x128xf32, #tpu.memory_space<vmem>> -> memref<1024x128xf32, #tpu.memory_space<vmem>>
      %dma_wait3A_43 = arith.constant 0 : i32
      %dma_wait3A_44 = arith.constant 0 : i32
      %dma_wait3A_45 = tpu.memref_slice %arg9[%and3A_37, %dma_wait3A_43, %dma_wait3A_44] : memref<4x1024x128xf32, #tpu.memory_space<vmem>> -> memref<1x1024x128xf32, #tpu.memory_space<vmem>>
      %dma_wait3A_46 = tpu.memref_squeeze %dma_wait3A_45 : memref<1x1024x128xf32, #tpu.memory_space<vmem>> -> memref<1024x128xf32, #tpu.memory_space<vmem>>
      tpu.wait_dma2 semaphore(%dma_wait3A_38 : memref<!tpu.dma_semaphore, #tpu.memory_space<semaphore_mem>>) src(%dma_wait3A_46 : memref<1024x128xf32, #tpu.memory_space<vmem>>) dst(%dma_wait3A_42 : memref<1024x128xf32, #tpu.memory_space<vmem>>)
      %get3A_47 = arith.index_cast %while3A_35 : i32 to index
      %get3A_48 = memref.load %arg2[%get3A_47] : memref<64xi32, #tpu.memory_space<smem>>
      %get3A_49 = arith.index_cast %while3A_35 : i32 to index
      %get3A_50 = memref.load %arg3[%get3A_49] : memref<64xi32, #tpu.memory_space<smem>>
      %get3A_51 = arith.index_cast %get3A_48 : i32 to index
      %get3A_52 = memref.load %arg1[%get3A_51] : memref<16xi32, #tpu.memory_space<smem>>
      %mul3A = arith.constant 1024 : i32
      %mul3A_53 = arith.muli %get3A_50, %mul3A : i32
      %get3A_54 = arith.index_cast %and3A_37 : i32 to index
      %get3A_55 = arith.constant 0 : index
      %get3A_56 = arith.constant 0 : index
      %get3A_57 = vector.load %arg9[%get3A_54, %get3A_55, %get3A_56] : memref<4x1024x128xf32, #tpu.memory_space<vmem>>, vector<1x1024x128xf32>
      %get3A_58 = vector.shape_cast %get3A_57 : vector<1x1024x128xf32> to vector<1024x128xf32>
      %mul3A_59 = arith.constant 4 : i32
      %mul3A_60 = arith.muli %get3A_48, %mul3A_59 : i32
      %add3A = arith.addi %mul3A_60, %get3A_50 : i32
      %get3A_61 = arith.index_cast %add3A : i32 to index
      %get3A_62 = arith.constant 0 : index
      %get3A_63 = arith.constant 0 : index
      %get3A_64 = vector.load %arg10[%get3A_61, %get3A_62, %get3A_63] : memref<64x1x1024xi32, #tpu.memory_space<vmem>>, vector<1x1x1024xi32>
      %get3A_65 = vector.shape_cast %get3A_64 : vector<1x1x1024xi32> to vector<1x1024xi32>
      %get3A_66 = arith.constant 0 : index
      %get3A_67 = arith.constant 0 : index
      %get3A_68 = vector.load %arg7[%get3A_66, %get3A_67] : memref<256x128xf32, #tpu.memory_space<vmem>>, vector<256x128xf32>
      %dot_general3A = arith.constant dense<0.000000e+00> : vector<256x1024xf32>
      %dot_general3A_69 = tpu.matmul %get3A_68, %get3A_58, %dot_general3A {dimension_numbers = #tpu.dot_dimension_numbers<[1], [1], [0], [0], [0, 0, 1, 0], [], []>, transpose_lhs_hint = false} : vector<256x128xf32>, vector<1024x128xf32>, vector<256x1024xf32> -> vector<256x1024xf32>
      %exp3A = math.exp %dot_general3A_69 : vector<256x1024xf32>
      %reduce_sum3A_70 = arith.constant dense<0.000000e+00> : vector<1024xf32>
      %reduce_sum3A_71 = vector.multi_reduction <add>, %exp3A, %reduce_sum3A_70 [0] : vector<256x1024xf32> to vector<1024xf32>
      %broadcast_in_dim3A_72 = vector.shape_cast %reduce_sum3A_71 : vector<1024xf32> to vector<1x1024xf32>
      %log3A = math.log %broadcast_in_dim3A_72 : vector<1x1024xf32>
      %iota3A = tpu.iota {dimensions = array<i32: 0>} : vector<256x1024xi32>
      %eq3A = vector.broadcast %get3A_65 : vector<1x1024xi32> to vector<256x1024xi32>
      %eq3A_73 = arith.cmpi eq, %iota3A, %eq3A : vector<256x1024xi32>
      %jit3A = arith.constant 0.000000e+00 : f32
      %broadcast_in_dim3A_74 = vector.broadcast %jit3A : f32 to vector<256x1024xf32>
      %select_n3A = arith.select %eq3A_73, %dot_general3A_69, %broadcast_in_dim3A_74 : vector<256x1024xi1>, vector<256x1024xf32>
      %reduce_sum3A_75 = arith.constant dense<0.000000e+00> : vector<1024xf32>
      %reduce_sum3A_76 = vector.multi_reduction <add>, %select_n3A, %reduce_sum3A_75 [0] : vector<256x1024xf32> to vector<1024xf32>
      %broadcast_in_dim3A_77 = vector.shape_cast %reduce_sum3A_76 : vector<1024xf32> to vector<1x1024xf32>
      %iota3A_78 = tpu.iota {dimensions = array<i32: 1>} : vector<1x1024xi32>
      %add3A_79 = vector.broadcast %mul3A_53 : i32 to vector<1x1024xi32>
      %add3A_80 = arith.addi %add3A_79, %iota3A_78 : vector<1x1024xi32>
      %lt3A = vector.broadcast %get3A_52 : i32 to vector<1x1024xi32>
      %lt3A_81 = arith.cmpi slt, %add3A_80, %lt3A : vector<1x1024xi32>
      %add3A_82 = arith.constant 4 : i32
      %add3A_83 = arith.addi %while3A_35, %add3A_82 : i32
      %lt3A_84 = arith.cmpi slt, %add3A_83, %get3A_0 : i32
      %convert_element_type3A_85 = arith.extui %lt3A_84 : i1 to i32
      %cond3A_86 = arith.constant 0 : i32
      %cond3A_87 = arith.cmpi ne, %convert_element_type3A_85, %cond3A_86 : i32
      scf.if %cond3A_87 {
        %add3A_92 = arith.constant 4 : i32
        %add3A_93 = arith.addi %while3A_35, %add3A_92 : i32
        %and3A_94 = arith.constant 3 : i32
        %and3A_95 = arith.andi %add3A_93, %and3A_94 : i32
        %get3A_96 = arith.index_cast %add3A_93 : i32 to index
        %get3A_97 = memref.load %arg2[%get3A_96] : memref<64xi32, #tpu.memory_space<smem>>
        %get3A_98 = arith.index_cast %add3A_93 : i32 to index
        %get3A_99 = memref.load %arg3[%get3A_98] : memref<64xi32, #tpu.memory_space<smem>>
        %mul3A_100 = arith.constant 1024 : i32
        %mul3A_101 = arith.muli %get3A_99, %mul3A_100 : i32
        %dma_start3A = tpu.memref_slice %arg11[%and3A_95] : memref<4x!tpu.dma_semaphore, #tpu.memory_space<semaphore_mem>> -> memref<1x!tpu.dma_semaphore, #tpu.memory_space<semaphore_mem>>
        %dma_start3A_102 = tpu.memref_squeeze %dma_start3A : memref<1x!tpu.dma_semaphore, #tpu.memory_space<semaphore_mem>> -> memref<!tpu.dma_semaphore, #tpu.memory_space<semaphore_mem>>
        %dma_start3A_103 = arith.constant 0 : i32
        %dma_start3A_104 = arith.constant 0 : i32
        %dma_start3A_105 = tpu.memref_slice %arg9[%and3A_95, %dma_start3A_103, %dma_start3A_104] : memref<4x1024x128xf32, #tpu.memory_space<vmem>> -> memref<1x1024x128xf32, #tpu.memory_space<vmem>>
        %dma_start3A_106 = tpu.memref_squeeze %dma_start3A_105 : memref<1x1024x128xf32, #tpu.memory_space<vmem>> -> memref<1024x128xf32, #tpu.memory_space<vmem>>
        %dma_start3A_107 = arith.constant 0 : i32
        %dma_start3A_108 = tpu.memref_slice %arg5[%get3A_97, %mul3A_101, %dma_start3A_107] : memref<16x4097x128xf32, #tpu.memory_space<any>> -> memref<1x1024x128xf32, #tpu.memory_space<any>>
        %dma_start3A_109 = tpu.memref_squeeze %dma_start3A_108 : memref<1x1024x128xf32, #tpu.memory_space<any>> -> memref<1024x128xf32, #tpu.memory_space<any>>
        tpu.enqueue_dma source(%dma_start3A_109 : memref<1024x128xf32, #tpu.memory_space<any>>) target(%dma_start3A_106 : memref<1024x128xf32, #tpu.memory_space<vmem>>) target_semaphore(%dma_start3A_102 : memref<!tpu.dma_semaphore, #tpu.memory_space<semaphore_mem>>)
      } else {
      }
      %sub3A = arith.subf %broadcast_in_dim3A_77, %log3A : vector<1x1024xf32>
      %jit3A_88 = arith.constant 0.000000e+00 : f32
      %broadcast_in_dim3A_89 = vector.broadcast %jit3A_88 : f32 to vector<1x1024xf32>
      %select_n3A_90 = arith.select %lt3A_81, %sub3A, %broadcast_in_dim3A_89 : vector<1x1024xi1>, vector<1x1024xf32>
      %add3A_91 = arith.addf %while3A_36, %select_n3A_90 : vector<1x1024xf32>
      scf.yield %add3A_91 : vector<1x1024xf32>
    }
    %reduce_sum3A = vector.shape_cast %while3A_28 : vector<1x1024xf32> to vector<1x1x1024xf32>
    %reduce_sum3A_29 = arith.constant dense<0.000000e+00> : vector<1xf32>
    %reduce_sum3A_30 = vector.multi_reduction <add>, %reduce_sum3A, %reduce_sum3A_29 [1, 2] : vector<1x1x1024xf32> to vector<1xf32>
    %reduce_sum3A_31 = vector.shape_cast %reduce_sum3A_30 : vector<1xf32> to vector<1x1x1xf32>
    %reduce_sum3A_32 = vector.extract %reduce_sum3A_31[0, 0, 0] : f32 from vector<1x1x1xf32>
    %reshape3A = vector.broadcast %reduce_sum3A_32 : f32 to vector<1x1xf32>
    %swap3A = arith.constant 0 : index
    %swap3A_33 = arith.constant 0 : index
    %swap3A_34 = vector.load %arg8[%swap3A, %swap3A_33] : memref<1x1xf32, #tpu.memory_space<vmem>>, vector<1x1xf32>
    tpu.vector_store %arg8[%swap3A, %swap3A_33], %reshape3A {strides = array<i32>} : memref<1x1xf32, #tpu.memory_space<vmem>>, vector<1x1xf32>,
    return
  }
  func.func @transform_2(%arg0: i32, %arg1: memref<16xi32, #tpu.memory_space<smem>>, %arg2: memref<64xi32, #tpu.memory_space<smem>>, %arg3: memref<64xi32, #tpu.memory_space<smem>>, %arg4: memref<1xi32, #tpu.memory_space<smem>>) -> (i32, i32) {
    %c0_i32 = arith.constant 0 : i32
    %c0_i32_0 = arith.constant 0 : i32
    %c0_i32_1 = arith.constant 0 : i32
    return %c0_i32, %c0_i32_0 : i32, i32
  }
  func.func @transform_3(%arg0: i32, %arg1: memref<16xi32, #tpu.memory_space<smem>>, %arg2: memref<64xi32, #tpu.memory_space<smem>>, %arg3: memref<64xi32, #tpu.memory_space<smem>>, %arg4: memref<1xi32, #tpu.memory_space<smem>>) -> (i32, i32) {
    %c0_i32 = arith.constant 0 : i32
    %c0_i32_0 = arith.constant 0 : i32
    %c0_i32_1 = arith.constant 0 : i32
    return %c0_i32, %c0_i32_0 : i32, i32
  }
}

</mosaic_0001>

<sc_bundles>
// kernel: scatter_offload_async_start
scs
__scs_entry_jumppad:
0x0: {  	(pc) =	sbr.rel $0x88, $3  }
0x1: {  	(tag) =	ssettag $0x0;
	lr =	simm.s32 $0x1  }
0x2: {  	[smem:$0x3F9D] =	sst lr;
	_ =	strace $0xD0000000  }
0x3: {  	_ = 	snop  }
0x4: {  	_ = 	snop  }
0x5: {  	_ = 	snop  }
0x6: {  	_ = 	snop  }
0x7: {  	_ = 	snop  }
__scs_overlays_trampoline_lowered:
0x8: {  	[smem:$0x3FAC] =	sst s0  }
0x9: {  	[smem:$0x3FAD] =	sst s1  }
0xa: {  	[smem:$0x3FAE] =	sst s2  }
0xb: {  	[smem:$0x3FAF] =	sst s3  }
0xc: {  	[smem:$0x3FB0] =	sst s4  }
0xd: {  	[smem:$0x3FB1] =	sst s5  }
0xe: {  	[smem:$0x3FB2] =	sst s6  }
0xf: {  	[smem:$0x3FB3] =	sst s7  }
0x10: {  	[smem:$0x3FB4] =	sst s8  }
0x11: {  	[smem:$0x3FB5] =	sst s9;
	s0 =	simm.s32 @!p0 $0x0  }
0x12: {  	s1 =	sld [smem:$0x3F9B];
	s0 =	simm.s32 @p0 $0x1  }
0x13: {  	[smem:$0x3FB6] =	sst s0;
	s0 =	simm.s32 @!p1 $0x0  }
0x14: {  	s2 =	sld [smem:$0x3F9A];
	s0 =	simm.s32 @p1 $0x1  }
0x15: {  	[smem:$0x3FB7] =	sst s0;
	s0 =	simm.s32 @!p2 $0x0  }
0x16: {  	s3 =	sld [smem:$0x3FDB];
	s0 =	simm.s32 @p2 $0x1  }
0x17: {  	s4 =	simm.s32 $0x1BF5;
	[smem:$0x3FB9] =	sst s0  }
0x18: {  	s0 =	sld [smem:$0x3F9C];
	_ =	swait.ge [sflag:s4], $0x0  }
0x19: {  	s7 =	sld [smem:$0x3F9D]  }
0x1a: {  	s8 =	sadd.s32 $0xFFFFE003, lr  }
0x1b: {  	s9 =	sadd.s32 $0xFFFFFEF7, lr;
	s5 =	simm.s32 $0xFFFFFFFF;
	p2 =	slt.u32 s8, $0xFFFFF086  }
0x1c: {  	p1 =	slt.u32 s9, $0xF7A;
	s5 =	simm.s32 @!p2 $0x0  }
0x1d: {  	s5 =	simm.s32 @p1 $0x1;
	p0 =	seq.s32 s7, s2  }
0x1e: {  	s7 =	smul.u32 @!p0 $0xF7A, s2;
	p2 =	seq.s32 @!p0 s5, $0x0  }
0x1f: {  	s9 =	smul.u32 $0xF7A, s1;
	s8 =	simm.s32 @!p0 $0x1BF5;
	p2 =	por !p2, p0  }
0x20: {  	[sflag:s8] =	ssyncset.s32 @!p0 $0xFFFFF086;
	s6 =	sadd.s32 @!p0 s3, s7;
	s7 =	simm.s32 @!p0 $0x108  }
0x21: {  	s3 =	sadd.s32 s3, s9;
	s6 =	sadd.s32 @!p0 $0x88, s6;
	s7 =	simm.s32 @p2 $0x1082  }
0x22: {  	[simem:s7], [sflag:s8] =	dma.local @!p0 [hbm:s6], $0xF7A  }
0x23: {  	s9 =	sor.u32 $0xD0000000, s2;
	s6 =	simm.s32 $0x108;
	_ =	swait.ge @!p0 [sflag:s8], $0x0  }
0x24: {  	s3 =	sadd.s32 $0x88, s3;
	s6 =	simm.s32 @!p1 $0x1082;
	[sflag:s4] =	ssyncset.s32 $0xFFFFF086  }
0x25: {  	[simem:s6], [sflag:s4] =	dma.local [hbm:s3], $0xF7A  }
0x26: {  	[smem:$0x3F9D] =	sst s1;
	(tag) =	ssettag s2;
	_ =	strace s9  }
0x27: {  	s1 =	sld [smem:$0x3FAD]  }
0x28: {  	s2 =	sld [smem:$0x3FAE]  }
0x29: {  	s4 =	sld [smem:$0x3FB0]  }
0x2a: {  	p0 =	seq.s32 s5, $0x0;
	s5 =	sld [smem:$0x3FB1]  }
0x2b: {  	s6 =	sld [smem:$0x3FB2]  }
0x2c: {  	s7 =	sld [smem:$0x3FB3]  }
0x2d: {  	s3 =	simm.s32 $0x108;
	s8 =	sld [smem:$0x3FB4]  }
0x2e: {  	s3 =	simm.s32 @!p0 $0x1082;
	s9 =	sld [smem:$0x3FB5]  }
0x2f: {  	lr =	sadd.s32 s0, s3;
	s0 =	sld [smem:$0x3FAC]  }
0x30: {  	s3 =	sld [smem:$0x3FAF]  }
0x31: {  	[smem:$0x3FB8] =	sst s10  }
0x32: {  	s10 =	sld [smem:$0x3FB6];
	_ =	sdelay $0x3  }
0x33: {  	p0 =	seq.s32 s10, $0x1;
	s10 =	sld [smem:$0x3FB8];
	_ =	sdelay $0x3  }
0x34: {  	[smem:$0x3FB8] =	sst s10  }
0x35: {  	s10 =	sld [smem:$0x3FB7];
	_ =	sdelay $0x3  }
0x36: {  	p1 =	seq.s32 s10, $0x1;
	s10 =	sld [smem:$0x3FB8];
	_ =	sdelay $0x3  }
0x37: {  	[smem:$0x3FB8] =	sst s10  }
0x38: {  	s10 =	sld [smem:$0x3FB9]  }
0x39: {  	_ = 	snop;
	(pc) =	sbr.ind lr, $3  }
0x3a: {  	_ = 	snop  }
0x3b: {  	_ = 	snop  }
0x3c: {  	p2 =	seq.s32 s10, $0x1;
	s10 =	sld [smem:$0x3FB8]  }
0x3d: {  	_ =	shalt  }
0x3e: {  	_ =	shalt  }
0x3f: {  	_ =	shalt  }
0x40: {  	_ =	shalt  }
0x41: {  	_ =	shalt  }
0x42: {  	_ =	shalt  }
0x43: {  	_ =	shalt  }
0x44: {  	_ =	shalt  }
0x45: {  	_ =	shalt  }
0x46: {  	_ =	shalt  }
0x47: {  	_ =	shalt  }
0x48: {  	_ =	shalt  }
0x49: {  	_ =	shalt  }
0x4a: {  	_ =	shalt  }
0x4b: {  	_ =	shalt  }
0x4c: {  	_ =	shalt  }
0x4d: {  	_ =	shalt  }
0x4e: {  	_ =	shalt  }
0x4f: {  	_ =	shalt  }
0x50: {  	_ =	shalt  }
0x51: {  	_ =	shalt  }
0x52: {  	_ =	shalt  }
0x53: {  	_ =	shalt  }
0x54: {  	_ =	shalt  }
0x55: {  	_ =	shalt  }
0x56: {  	_ =	shalt  }
0x57: {  	_ =	shalt  }
0x58: {  	_ =	shalt  }
0x59: {  	_ =	shalt  }
0x5a: {  	_ =	shalt  }
0x5b: {  	_ =	shalt  }
0x5c: {  	_ =	shalt  }
0x5d: {  	_ =	shalt  }
0x5e: {  	_ =	shalt  }
0x5f: {  	_ =	shalt  }
0x60: {  	_ =	shalt  }
0x61: {  	_ =	shalt  }
0x62: {  	_ =	shalt  }
0x63: {  	_ =	shalt  }
0x64: {  	_ =	shalt  }
0x65: {  	_ =	shalt  }
0x66: {  	_ =	shalt  }
0x67: {  	_ =	shalt  }
0x68: {  	_ =	shalt  }
0x69: {  	_ =	shalt  }
0x6a: {  	_ =	shalt  }
0x6b: {  	_ =	shalt  }
0x6c: {  	_ =	shalt  }
0x6d: {  	_ =	shalt  }
0x6e: {  	_ =	shalt  }
0x6f: {  	_ =	shalt  }
0x70: {  	_ =	shalt  }
0x71: {  	_ =	shalt  }
0x72: {  	_ =	shalt  }
0x73: {  	_ =	shalt  }
0x74: {  	_ =	shalt  }
0x75: {  	_ =	shalt  }
0x76: {  	_ =	shalt  }
0x77: {  	_ =	shalt  }
0x78: {  	_ =	shalt  }
0x79: {  	_ =	shalt  }
0x7a: {  	_ =	shalt  }
0x7b: {  	_ =	shalt  }
0x7c: {  	_ =	shalt  }
0x7d: {  	_ =	shalt  }
0x7e: {  	_ =	shalt  }
0x7f: {  	_ =	shalt  }
0x80: {  	_ =	shalt  }
0x81: {  	_ =	shalt  }
0x82: {  	_ =	shalt  }
0x83: {  	_ =	shalt  }
0x84: {  	_ =	shalt  }
0x85: {  	_ =	shalt  }
0x86: {  	_ =	shalt  }
0x87: {  	_ =	shalt  }
.Lfunc_end0:
.L_simem_size_0:
called_computation_lowered:
.L_overlay_start_0:
0x88: {  	s0 =	sld [smem:$0x3FD9]  }
0x89: {  	s1 =	sld [smem:$0x3FFE];
	_ =	sdelay $0x3  }
0x8a: {  	s0 =	sadd.s32 s1, s0  }
0x8b: {  	[smem:$0x3FC4] =	sst s0  }
0x8c: {  	_ = 	snop  }
0x8d: {  	s0 =	sld [smem:$0x3FD0];
	(tm) =	ssettm $0x1  }
0x8e: {  	s16 =	sld [smem:$0x3FFB];
	_ =	sdelay $0x3  }
0x8f: {  	_ =	strace s16  }
0x90: {  	s1 =	sld [smem:$0x3FFC];
	_ =	sdelay $0x3  }
0x91: {  	_ =	strace s1  }
0x92: {  	s1 =	sld [smem:$0x3FFD];
	_ =	sdelay $0x3  }
0x93: {  	_ =	strace s1  }
0x94: {  	_ =	strace $0x8FFFFFFF  }
0x95: {  	s17 =	sld [smem:$0x3FDB];
	_ =	sdelay $0x1  }
0x96: {  	s2 =	simm.s32 $_scs_section_size  }
0x97: {  	s3 =	simm.s32 $_size__tile_overlayer_lowered;
	s4 =	simm.s32 $_tile_overlayer_lowered  }
0x98: {  	s20 =	simm.s32 $0x1BFF;
	s19 =	sshll.u32 s4, $0x1;
	s1 =	sadd.s32 s2, s17  }
0x99: {  	s5 =	simm.s32 $0x0;
	s18 =	sshll.u32 s3, $0x1;
	s3 =	sadd.s32 s19, s1  }
0x9a: {  	[timem:s5], [sflag:s20] =	dma.local [hbm:s3], s18  }
0x9b: {  	_ =	swait.ge [sflag:s20], s18  }
0x9c: {  	s2 =	ssub.s32 $0x0, s18;
	[sflag:s20] =	ssyncset.done $0x0  }
0x9d: {  	[sflag:s20] =	ssyncadd.s32 s2;
	_ =	sdelay $0x1  }
0x9e: {  	s21 =	simm.s32 $0x1B8B  }
0x9f: {  	_ =	swait.ge [sflag:s21], $0x1  }
0xa0: {  	[sflag:s21] =	ssyncset.done $0x0  }
0xa1: {  	s23 =	simm.s32 $0x1B8E;
	s22 =	sld [smem:$0x3FFE];
	[sflag:s21] =	ssyncadd.s32 $0xFFFFFFFF  }
0xa2: {  	s24 =	simm.s32 $execute0_lowered;
	[smem:$0x3FD2] =	sst s23  }
0xa3: {  	s3 =	sshll.u32 s24, $0x1;
	_ =	strace $0x80000046;
	[dreg:$0x1] =	wrdreg $0xFFFFFFFF  }
0xa4: {  	s25 =	simm.s32 $_size_execute0_lowered;
	s1 =	sadd.s32 s1, s3;
	[dreg:$0x0] =	wrdreg $0x0  }
0xa5: {  	s3 =	sshll.u32 s25, $0x1;
	[dreg:$0x2] =	wrdreg s1  }
0xa6: {  	[dreg:$0x3] =	wrdreg s3  }
0xa7: {  	[dreg:$0x4] =	wrdreg $0xC0  }
0xa8: {  	_ =	task [dreg:s5], $0x5FFFF  }
0xa9: {  	[dreg:$0x1] =	wrdreg $0xFFFFFFFF  }
0xaa: {  	[dreg:$0x0] =	wrdreg $0x60  }
0xab: {  	[dreg:$0x2] =	wrdreg s0  }
0xac: {  	[dreg:$0x3] =	wrdreg s22  }
0xad: {  	[dreg:$0x4] =	wrdreg $0x9  }
0xae: {  	_ =	task.clear_ibuf [dreg:s5], $0x5FFFF;
	_ =	strace $0x90000046  }
0xaf: {  	s26 =	simm.s32 $0x9;
	_ =	strace $0x80000048  }
0xb0: {  	_ =	swait.ge [sflag:s26], $0x1  }
0xb1: {  	[sflag:s26] =	ssyncadd.s32 $0xFFFFFFFF  }
0xb2: {  	_ =	strace $0x90000048  }
0xb3: {  	_ =	sfence  }
0xb4: {  	s28 =	sld [smem:$0x0];
	_ =	sdelay $0x1  }
0xb5: {  	s29 =	srdreg.scid  }
0xb6: {  	s30 =	sshll.u32 s29, $0xD;
	s31 =	sshrl.u32 s29, $0x2  }
0xb7: {  	s2 =	sand.u32 $0x4000, s30;
	s1 =	sand.u32 $0x1, s29;
	s0 =	sadd.s32 s31, s28  }
0xb8: {  	s1 =	sor.u32 s2, s1;
	s0 =	sshll.u32 s0, $0x11  }
0xb9: {  	s0 =	sor.u32 s0, s1  }
0xba: {  	s0 =	sadd.s32 $0x8F2B, s0  }
0xbb: {  	[sflag:s0] =	ssyncadd.remote.s32 $0x1  }
0xbc: {  	_ =	sfence.sel $0xFFFF  }
0xbd: {  	[dreg:$0x0] =	wrdreg $0xFFFFFFFF;
	(pc) =	sbr.abs _section_cstart, $3  }
0xbe: {  	[dreg:$0x1] =	wrdreg $0xFFFFFFFF  }
0xbf: {  	_ =	task.clear_ibuf [dreg:s5], $0x2FFFF;
	_ =	strace $0x9FFFFFFF  }
0xc0: {  	(tm) =	ssettm $0x7FFFFFFF  }
0xc1: {  	_ =	shalt  }
tec
execute0_lowered:
.L_overlay_start_1:
0x0: {  	(tag) =	ssettag $0x1  }
0x1: {  	s1 =	rddreg [dreg:$0x0]  }
0x2: {  	s4 =	rddreg [dreg:$0x1]  }
0x3: {  	s0 =	rddreg [dreg:$0x2];
	s3 =	stileid.u32  }
0x4: {  	_ =	strace $0x80000047;
	s6 =	simm.s32 $0x3E;
	p0 =	sne.s32 s3, $0x0  }
0x5: {  	[sflag:s6] =	ssyncpa.u1 $0x0;
	s31 =	smin.u32 s3, $0x4;
	p1 =	slt.u32 s3, $0x4  }
0x6: {  	s3 =	simm.s32 $0x10;
	s5 =	simm.s32 @!p0 $0x1C3E;
	s2 =	simm.s32 @!p0 $0x0  }
0x7: {  	[spmem:s2], [sflag:s5] =	dma.local @!p0 [hbm:s1], $0x10  }
0x8: {  	s3 =	simm.s32 @!p1 $0x0;
	s5 =	sshll.u32 s31, $0x4  }
0x9: {  	s3 =	sadd.s32 s3, s5  }
0xa: {  	s9 =	smin.u32 s3, $0x40  }
0xb: {  	s8 =	ssub.s32 s9, s5  }
0xc: {  	p1 =	sgt.s32 s8, $0x0  }
0xd: {  	s7 =	simm.s32 @!p0 $0x3E;
	s8 =	simm.s32 @!p1 $0x0  }
0xe: {  	_ =	swait.ge @!p0 [sflag:s7], $0x10;
	s10 =	sshrl.u32 s8, $0x4  }
0xf: {  	[sflag:s7] =	ssyncset.done @!p0 $0x0;
	s11 =	sadd.s32 $0x1, s10  }
0x10: {  	p3 =	por $0x0, $0x0;
	[sflag:s7] =	ssyncadd.s32 @!p0 $0xFFFFFFF0;
	p1 =	sne.s32 s11, $0x1  }
.Ltmp0:
0x11: {  	s3 =	simm.s32 $0x1;
	[bflag:$0x0] =	sbarrier.arrive $0xFFFF;
	(pc) =	sbr.rel @!p1 .LBB2_1-.Ltmp0, $4  }
0x12: {  	s7 =	sadd.s32 $0x200, s4;
	[sflag:s6] =	ssyncpa.u1 $0x1;
	s6 =	sadd.s32 $0x400, s4  }
0x13: {  	s4 =	simm.s32 $0x2;
	s8 =	simm.s32 $0x0;
	p2 =	sle.u32 s10, $0x0  }
0x14: {  	[sflag:s3] =	ssyncpa.u1 $0x0;
	(ifvalue) =	ssetifvalue $0x80;
	s12 =	sxor.u32 @!p2 $0xFFFFFFFF, s8  }
0x15: {  	[sflag:s4] =	ssyncpa.u1 $0x0;
	s15 =	sshrl.u32 @!p2 s5, $0x3;
	s16 =	sand.u32 @!p2 $0x10, s12  }
0x16: {  	s12 =	sadd.s32 @!p2 s7, s15  }
0x17: {  	s13 =	sor.u32 @!p2 $0x8, s16;
	s14 =	sand.u32 @!p2 $0x7, s5;
	p1 =	por $0x1, $0x1  }
0x18: {  	[tilespmem:s13], [sflag:$0x2] =	stream.linear.gather @!p2 [hbm4b:s12+s14], $0x10, $0x38;
	[tilespmem:$0x48] =	vst v63  }
0x19: {  	s15 =	sadd.s32 @!p2 s6, s15;
	s12 =	sor.u32 @!p2 $0x28, s16;
	s13 =	simm.s32 @!p1 $0x2  }
0x1a: {  	[tilespmem:s12], [sflag:$0x2] =	stream.linear.gather @!p2 [hbm4b:s15+s14], $0x10, $0x38;
	[tilespmem:$0x48] =	vst v63  }
0x1b: {  	_ =	swait.ge @!p1 [sflag:s13], $0x20  }
0x1c: {  	s8 =	sand.u32 @!p1 $0x10, s8;
	[sflag:s13] =	ssyncset.done @!p1 $0x0  }
0x1d: {  	s12 =	sor.u32 @!p1 $0x8, s8;
	[sflag:s13] =	ssyncadd.s32 @!p1 $0xFFFFFFE0  }
0x1e: {  	v0 =	vld.msk @!p1 [tilespmem:s12+$0x0 ss:$0x1], $0xffff;
	_ =	sdelay $0x3  }
0x1f: {  	p4 =	sne.s32 s11, $0x2  }
.Ltmp1:
0x20: {  	s18 =	simm.s32 @!p1 $0x0;
	s17 =	simm.s32 @!p1 $0x1;
	v0 =	vmin.u32 @!p1 v0, $0x80;
	(pc) =	sbr.rel @!p4 .LBB2_3-.Ltmp1, $4  }
0x21: {  	s15 =	sadd.s32 $0x10, s5;
	p2 =	sle.u32 s10, $0x1;
	s14 =	smov.u32 s5  }
0x22: {  	p3 =	slt.s32 s15, s9;
	s13 =	sor.u32 @!p1 $0x28, s8;
	s8 =	simm.s32 $0x10  }
0x23: {  	s14 =	smov.u32 @p3 s15;
	p3 =	por $0x1, $0x1;
	s16 =	sxor.u32 @!p2 $0xFFFFFFFF, s8  }
0x24: {  	vm0 =	vmmov @!p1 $0xffff;
	s15 =	sshrl.u32 @!p2 s14, $0x3;
	s12 =	simm.s32 $0x2;
	s16 =	sand.u32 @!p2 $0x10, s16  }
.LBB2_4:
0x25: {  	[spmem:s18] =	stream.indirect_vreg.scatter.add.s32 @!p1 [tilespmem:s13], [sflag:$0x1], $0x1, v0, vm0, $0x4038;
	[tilespmem:$0x48] =	vst v63  }
0x26: {  	s13 =	sadd.s32 @!p2 s7, s15;
	s18 =	sor.u32 @!p2 $0x8, s16;
	_ =	swait.ge @!p1 [sflag:s17], $0x10  }
0x27: {  	s19 =	smov.u32 s12;
	s12 =	sadd.s32 $0x1, s12;
	[sflag:s17] =	ssyncset.done @!p1 $0x0  }
0x28: {  	s20 =	sand.u32 @!p2 $0x7, s14;
	[sflag:s17] =	ssyncadd.s32 @!p1 $0xFFFFFFF0;
	p1 =	seq.s32 s8, $0x0  }
0x29: {  	[tilespmem:s18], [sflag:$0x2] =	stream.linear.gather @!p2 [hbm4b:s13+s20], $0x10, $0x38;
	[tilespmem:$0x48] =	vst v63  }
0x2a: {  	s16 =	sor.u32 @!p2 $0x28, s16;
	s17 =	simm.s32 @!p1 $0x2;
	s13 =	sand.u32 @!p1 $0x10, s8  }
0x2b: {  	s15 =	sadd.s32 @!p2 s6, s15;
	s18 =	sor.u32 @!p1 $0x8, s13;
	s13 =	sor.u32 @!p1 $0x28, s13  }
0x2c: {  	[tilespmem:s16], [sflag:$0x2] =	stream.linear.gather @!p2 [hbm4b:s15+s20], $0x10, $0x38;
	[tilespmem:$0x48] =	vst v63  }
0x2d: {  	p4 =	sne.s32 s11, s12;
	_ =	swait.ge @!p1 [sflag:s17], $0x20  }
0x2e: {  	[sflag:s17] =	ssyncset.done @!p1 $0x0  }
0x2f: {  	[sflag:s17] =	ssyncadd.s32 @!p1 $0xFFFFFFE0  }
0x30: {  	v0 =	vld.msk @!p1 [tilespmem:s18+$0x0 ss:$0x1], $0xffff;
	_ =	sdelay $0x5  }
.Ltmp2:
0x31: {  	s8 =	sadd.s32 $0x10, s8;
	v0 =	vmin.u32 @!p1 v0, $0x80;
	(pc) =	sbr.rel @p4 .LBB2_4-.Ltmp2, $4  }
0x32: {  	vm0 =	vmmov @!p1 $0xffff;
	s15 =	sadd.s32 $0x10, s14;
	p2 =	sge.u32 s19, s10;
	s18 =	simm.s32 @!p1 $0x0  }
0x33: {  	s14 =	smov.u32 s5;
	p5 =	slt.s32 s15, s9;
	s17 =	simm.s32 @!p1 $0x1  }
0x34: {  	s16 =	sxor.u32 @!p2 $0xFFFFFFFF, s8;
	s14 =	smov.u32 @p5 s15  }
0x35: {  	s16 =	sand.u32 @!p2 $0x10, s16;
	s15 =	sshrl.u32 @!p2 s14, $0x3  }
0x36: {  	s5 =	smov.u32 s14  }
.LBB2_6:
0x37: {  	_ =	sdelay $0x2  }
0x38: {  	p3 =	por p1, !p3  }
0x39: {  	[spmem:s18] =	stream.indirect_vreg.scatter.add.s32 @!p3 [tilespmem:s13], [sflag:$0x1], $0x1, v0, vm0, $0x4038;
	[tilespmem:$0x48] =	vst v63  }
0x3a: {  	_ =	swait.ge @!p3 [sflag:s17], $0x10  }
0x3b: {  	s7 =	sadd.s32 @!p2 s7, s15;
	s9 =	sor.u32 @!p2 $0x8, s16;
	[sflag:s17] =	ssyncset.done @!p3 $0x0  }
0x3c: {  	s5 =	sand.u32 @!p2 $0x7, s5;
	p1 =	seq.s32 s8, $0x0;
	[sflag:s17] =	ssyncadd.s32 @!p3 $0xFFFFFFF0  }
0x3d: {  	[tilespmem:s9], [sflag:$0x2] =	stream.linear.gather @!p2 [hbm4b:s7+s5], $0x10, $0x38;
	[tilespmem:$0x48] =	vst v63  }
0x3e: {  	s6 =	sadd.s32 @!p2 s6, s15;
	s7 =	sor.u32 @!p2 $0x28, s16;
	s9 =	simm.s32 @!p1 $0x2  }
0x3f: {  	[tilespmem:s7], [sflag:$0x2] =	stream.linear.gather @!p2 [hbm4b:s6+s5], $0x10, $0x38;
	[tilespmem:$0x48] =	vst v63  }
0x40: {  	_ =	swait.ge @!p1 [sflag:s9], $0x20  }
0x41: {  	s5 =	sand.u32 @!p1 $0x10, s8;
	[sflag:s9] =	ssyncset.done @!p1 $0x0  }
0x42: {  	s6 =	sor.u32 @!p1 $0x8, s5;
	[sflag:s9] =	ssyncadd.s32 @!p1 $0xFFFFFFE0  }
0x43: {  	v0 =	vld.msk @!p1 [tilespmem:s6+$0x0 ss:$0x1], $0xffff;
	_ =	sdelay $0x4  }
0x44: {  	v0 =	vmin.u32 @!p1 v0, $0x80;
	_ =	sdelay $0x3  }
0x45: {  	vm0 =	vmmov @!p1 $0xffff;
	s7 =	simm.s32 @!p1 $0x1;
	s5 =	sor.u32 @!p1 $0x28, s5;
	s6 =	simm.s32 @!p1 $0x0  }
0x46: {  	[spmem:s6] =	stream.indirect_vreg.scatter.add.s32 @!p1 [tilespmem:s5], [sflag:$0x1], $0x1, v0, vm0, $0x4038;
	[tilespmem:$0x48] =	vst v63  }
0x47: {  	_ =	swait.ge @!p1 [sflag:s7], $0x10  }
0x48: {  	[sflag:s7] =	ssyncset.done @!p1 $0x0  }
0x49: {  	[sflag:s7] =	ssyncadd.s32 @!p1 $0xFFFFFFF0  }
0x4a: {  	_ =	sfence.sel $0x180000  }
0x4b: {  	[bflag:$0x0] =	sbarrier.arrive $0xFFFF  }
0x4c: {  	[sflag:s4] =	ssyncpa.u1 $0x1  }
0x4d: {  	[sflag:s3] =	ssyncpa.u1 $0x1  }
0x4e: {  	_ =	sfence.stream.spmem  }
0x4f: {  	s31 =	simm.s32 $0x3D;
	[bflag:$0x0] =	sbarrier.arrive $0xFFFF  }
0x50: {  	s3 =	simm.s32 @p0 $0x3D;
	[sflag:s31] =	ssyncpa.u1 $0x0  }
0x51: {  	[sflag:s3] =	ssyncpa.u1 @p0 $0x1  }
0x52: {  	[bflag:$0x0] =	sbarrier.arrive @p0 $0xFFFF  }
0x53: {  	_ =	strace @p0 $0x90000047  }
0x54: {  	s3 =	simm.s32 @!p0 $0x1C3D;
	[bflag:$0x2] =	sbarrier.arrive @p0 $0xFFFF  }
0x55: {  	[hbm:s1], [sflag:s3] =	dma.local @!p0 [spmem:s2], $0x10  }
0x56: {  	s1 =	simm.s32 @!p0 $0x3D  }
0x57: {  	_ =	swait.ge @!p0 [sflag:s1], $0x10  }
0x58: {  	[sflag:s1] =	ssyncset.done @!p0 $0x0  }
0x59: {  	[sflag:s1] =	ssyncadd.s32 @!p0 $0xFFFFFFF0  }
0x5a: {  	[sflag:s1] =	ssyncpa.u1 @!p0 $0x1  }
0x5b: {  	[bflag:$0x0] =	sbarrier.arrive @!p0 $0xFFFF  }
0x5c: {  	_ =	strace @!p0 $0x90000047  }
0x5d: {  	s0 =	sadd.s32 @!p0 $0x100000, s0;
	[bflag:$0x2] =	sbarrier.arrive @!p0 $0xFFFF  }
0x5e: {  	[sflag:s0] =	ssyncadd.tile.s32 @!p0 $0x1;
	_ =	shalt  }
.LBB2_1:
.Ltmp3:
0x5f: {  	(pc) =	sbr.rel .LBB2_6-.Ltmp3, $2  }
0x60: {  	_ =	sdelay $0x2  }
0x61: {  	_ = 	snop  }
.LBB2_3:
.Ltmp4:
0x62: {  	(pc) =	sbr.rel .LBB2_6-.Ltmp4, $2  }
0x63: {  	_ =	sdelay $0x2  }
0x64: {  	s5 =	smov.u32 s14  }
.Lfunc_end2:
_tile_overlayer_lowered:
.L_overlay_start_2:
0x65: {  	(tag) =	ssettag $0x2  }
0x66: {  	s0 =	rddreg [dreg:$0x0];
	s2 =	stileid.u32  }
0x67: {  	s1 =	rddreg [dreg:$0x1];
	p0 =	sne.s32 s2, $0x0  }
0x68: {  	s3 =	rddreg [dreg:$0x2];
	[bflag:$0x3] =	sbarrier.arrive $0xFFFF;
	s2 =	simm.s32 @!p0 $0x1C01  }
0x69: {  	[timem:s3], [sflag:s2] =	dma.local @!p0 [hbm:s0], s1  }
0x6a: {  	s0 =	simm.s32 @!p0 $0x1  }
0x6b: {  	_ =	swait.ge @!p0 [sflag:s0], s1  }
0x6c: {  	s1 =	ssub.s32 @!p0 $0x0, s1;
	[sflag:s0] =	ssyncset.done @!p0 $0x0  }
0x6d: {  	[sflag:s0] =	ssyncadd.s32 @!p0 s1  }
0x6e: {  	[bflag:$0x3] =	sbarrier.arrive $0xFFFF  }
0x6f: {  	_ =	shalt  }

</sc_bundles>
